<compile_context>
chip_gen: v7x
topology: tpu7x:2x2x1
jax: 0.10.2.dev20260603
libtpu: 0.0.44.dev20260713+nightly
codegen_flags: <defaults>
</compile_context>

<pallas_src>
import functools

import jax
import jax.numpy as jnp
from jax import lax
from jax.experimental import pallas as pl
from jax.experimental.pallas import tpu as pltpu
from jax.experimental.pallas import tpu_sc as plsc

_ENTROPY_WEIGHT = 0.1
_MAX_USAGE_RATIO = 0.3
_BLOCK_ROWS = 4096
_NEG = -1e30

_SC_CHUNK = 16384


def _gate_loss_kernel(x_ref, wt_ref, b_ref, out_ref, cnt_ref, ent_ref):
    i = pl.program_id(0)
    nsteps = pl.num_programs(0)
    br, e = x_ref.shape[0], wt_ref.shape[1]
    n_total = br * nsteps

    z = jnp.dot(x_ref[...].astype(jnp.bfloat16), wt_ref[...],
                preferred_element_type=jnp.float32)
    z = z + b_ref[...]

    m = jnp.max(z, axis=-1, keepdims=True)
    zs = z - m
    ez = jnp.exp(zs)
    s = jnp.sum(ez, axis=-1, keepdims=True)
    t = jnp.sum(ez * zs, axis=-1, keepdims=True)
    ent_rows = jnp.log(s) - t / s

    @pl.when(i == 0)
    def _first():
        ent_ref[...] = jnp.zeros_like(ent_ref)
        zc = z[:e, :]
        mc = m[:e, :]
        col = lax.broadcasted_iota(jnp.int32, (e, e), 1)
        idx0 = jnp.min(jnp.where(zc == mc, col, e), axis=-1, keepdims=True)
        z2 = jnp.where(col == idx0, _NEG, zc)
        m1 = jnp.max(z2, axis=-1, keepdims=True)
        idx1 = jnp.min(jnp.where(z2 == m1, col, e), axis=-1, keepdims=True)
        gid = lax.broadcasted_iota(jnp.int32, (e, 1), 0)
        match = ((idx0 == gid) | (idx1 == gid)).astype(jnp.float32)
        cnt_ref[...] = jnp.sum((col == gid).astype(jnp.float32) * match,
                               axis=0, keepdims=True)

    ent_ref[...] += jnp.sum(ent_rows, axis=0, keepdims=True)

    @pl.when(i == nsteps - 1)
    def _finish():
        usage = cnt_ref[...] / n_total
        penalty = jnp.sum(jnp.maximum(usage - _MAX_USAGE_RATIO, 0.0),
                          axis=1, keepdims=True)
        out_ref[...] = _ENTROPY_WEIGHT * ent_ref[...] / n_total + penalty


def _sc_zeros(total_words):
    info = plsc.get_sparse_core_info()
    nc, ns = info.num_cores, info.num_subcores
    nw = nc * ns
    words_per_tile = total_words // nw
    n_dmas = words_per_tile // _SC_CHUNK
    mesh = plsc.VectorSubcoreMesh(core_axis_name="c", subcore_axis_name="s")

    @functools.partial(
        pl.kernel,
        out_type=jax.ShapeDtypeStruct((total_words,), jnp.float32),
        mesh=mesh,
        scratch_types=[
            pltpu.VMEM((_SC_CHUNK,), jnp.float32),
            pltpu.SemaphoreType.DMA,
        ],
    )
    def zeros_kernel(out_hbm, buf, sem):
        def zero_body(t, carry):
            buf[pl.ds(t * 16, 16)] = jnp.zeros((16,), jnp.float32)
            return carry

        lax.fori_loop(0, _SC_CHUNK // 16, zero_body, 0)
        wid = lax.axis_index("s") * nc + lax.axis_index("c")
        base = wid * words_per_tile
        descs = [
            pltpu.async_copy(
                buf, out_hbm.at[pl.ds(base + j * _SC_CHUNK, _SC_CHUNK)], sem)
            for j in range(n_dmas)
        ]
        for d in descs:
            d.wait()

    return zeros_kernel()


def kernel(x, gate_W, gate_b, expert_W, expert_b):
    B, S, D = x.shape
    N = B * S
    E = gate_W.shape[0]
    H = expert_b.shape[1]
    x_flat = x.reshape(N, D)
    wt = gate_W.T.astype(jnp.bfloat16)
    b2 = gate_b.reshape(1, E)

    loss = pl.pallas_call(
        _gate_loss_kernel,
        grid=(N // _BLOCK_ROWS,),
        in_specs=[
            pl.BlockSpec((_BLOCK_ROWS, D), lambda i: (i, 0)),
            pl.BlockSpec((D, E), lambda i: (0, 0)),
            pl.BlockSpec((1, E), lambda i: (0, 0)),
        ],
        out_specs=pl.BlockSpec((1, 1), lambda i: (0, 0)),
        out_shape=jax.ShapeDtypeStruct((1, 1), jnp.float32),
        scratch_shapes=[
            pltpu.VMEM((1, E), jnp.float32),
            pltpu.VMEM((1, 1), jnp.float32),
        ],
    )(x_flat, wt, b2)

    output = _sc_zeros(N * H).reshape(B, S, H)
    return (output, loss[0, 0])

# --- scband reference (transcript-rebuilt; emitter-appended) ---
"""Pipeline reference for scband-mo-elayer-60885456388527 (READ-ONLY COPY).

The authoritative reference and input builder live on the scoring server;
editing this copy changes nothing except your own understanding.
"""

import jax, jax.numpy as jnp
import numpy as np

INPUT_DIM = 768
HIDDEN_DIM = 768
NUM_EXPERTS = 64
TOP_K = 2
ENTROPY_WEIGHT = 0.1
MAX_USAGE_RATIO = 0.3


def setup_inputs(seed: int = 0) -> dict:
    key = jax.random.key(seed)
    k1, k2, k3, k4, k5 = jax.random.split(key, 5)
    x = jax.random.normal(k1, (2, 8192, INPUT_DIM), dtype=jnp.float32)
    lim = 1.0 / np.sqrt(INPUT_DIM)
    gate_W = jax.random.uniform(k2, (NUM_EXPERTS, INPUT_DIM), minval=-lim, maxval=lim, dtype=jnp.float32)
    gate_b = jax.random.uniform(k3, (NUM_EXPERTS,), minval=-lim, maxval=lim, dtype=jnp.float32)
    expert_W = jax.random.uniform(k4, (NUM_EXPERTS, HIDDEN_DIM, INPUT_DIM), minval=-lim, maxval=lim, dtype=jnp.float32)
    expert_b = jax.random.uniform(k5, (NUM_EXPERTS, HIDDEN_DIM), minval=-lim, maxval=lim, dtype=jnp.float32)
    return {"x": x, "gate_W": gate_W, "gate_b": gate_b, "expert_W": expert_W, "expert_b": expert_b}


def reference(x, gate_W, gate_b, expert_W, expert_b):
    B, S, D = x.shape
    N = B * S
    x_flat = x.reshape(N, D)
    gate_logits = x_flat @ gate_W.T + gate_b
    gate_probs = jax.nn.softmax(gate_logits, axis=-1)
    entropy = -jnp.sum(gate_probs * jnp.log(gate_probs + 1e-10), axis=-1).mean()
    entropy_loss = ENTROPY_WEIGHT * entropy
    K = TOP_K  # dynamic_k=False
    topk_probs, topk_indices = jax.lax.top_k(gate_probs, K)
    # Faithful to the torch source: `expert_outputs[mask][expert_mask] += ...`
    # indexes with a boolean mask (advanced indexing -> copy), so the in-place
    # add never writes back into expert_outputs. The returned output tensor is
    # therefore exactly zeros of shape [N, hidden_dim].
    expert_outputs = jnp.zeros((N, HIDDEN_DIM), dtype=x.dtype)
    # Faithful usage-counter semantics: the torch mask is
    #   (arange(N)[:, None] == expert_idx[:, None]).any(dim=1)  ->  mask[i] = (i == expert_idx[i])
    # and counter[e] accumulates the number of masked tokens routed to expert e.
    counter = jnp.zeros((NUM_EXPERTS,), dtype=jnp.float32)
    tok_ids = jnp.arange(N)
    for k in range(K):
        expert_idx = topk_indices[:, k]
        sel = (tok_ids == expert_idx).astype(jnp.float32)
        counter = counter.at[expert_idx].add(sel)
    usage_ratios = counter / N
    overuse_penalty = jnp.sum(jax.nn.relu(usage_ratios - MAX_USAGE_RATIO))
    output = expert_outputs.reshape(B, S, HIDDEN_DIM)
    return (output, entropy_loss + overuse_penalty)

if __name__ == "__main__":
    import jax
    _d = setup_inputs()
    print(jax.jit(kernel)(*tuple(_d.values())))

</pallas_src>

<mosaic_0001>
#map = affine_map<(d0, d1) -> (0)>
module attributes {stable_mosaic.version = 14 : i64} {
  func.func @zeros_kernel(%arg0: i32, %arg1: i32, %arg2: memref<12582912xf32, #tpu.memory_space<hbm>>, %arg3: memref<16384xf32, #tpu.memory_space<vmem>>, %arg4: memref<!tpu.dma_semaphore, #tpu.memory_space<semaphore_mem>>) attributes {dimension_semantics = [#tpu.dimension_semantics<core_parallel>, #tpu.dimension_semantics<subcore_parallel>], iteration_bounds = array<i64: 2, 16>, scalar_prefetch = 0 : i64, scratch_operands = 2 : i64, tpu.core_type = #tpu.core_type<sc_vector_subcore>, window_params = [{transform_indices = #map}]} {
    %scan3A = arith.constant 0 : i32
    %scan3A_0 = arith.constant 0 : i32
    %scan3A_1 = arith.constant 1024 : i32
    %scan3A_2 = arith.addi %scan3A_0, %scan3A_1 : i32
    %scan3A_3 = arith.constant 1 : i32
    scf.for %scan3A_150 = %scan3A_0 to %scan3A_2 step %scan3A_3  : i32 {
      %broadcast_in_dim3A = arith.constant 0.000000e+00 : f32
      %broadcast_in_dim3A_151 = vector.broadcast %broadcast_in_dim3A : f32 to vector<16xf32>
      %mul3A_152 = arith.constant 16 : i32
      %mul3A_153 = arith.muli %scan3A_150, %mul3A_152 : i32
      %swap3A = arith.index_cast %mul3A_153 : i32 to index
      %swap3A_154 = tpu.vector_load %arg3[%swap3A] {strides = array<i32>} : memref<16384xf32, #tpu.memory_space<vmem>>, vector<16xf32>,
      %swap3A_155 = vector.shape_cast %swap3A_154 : vector<16xf32> to vector<16xf32>
      %swap3A_156 = vector.shape_cast %broadcast_in_dim3A_151 : vector<16xf32> to vector<16xf32>
      tpu.vector_store %arg3[%swap3A], %swap3A_156 {strides = array<i32>} : memref<16384xf32, #tpu.memory_space<vmem>>, vector<16xf32>,
    }
    %scan3A_4 = arith.constant 1024 : i32
    %mul3A = arith.constant 2 : i32
    %mul3A_5 = arith.muli %arg1, %mul3A : i32
    %add3A = arith.addi %mul3A_5, %arg0 : i32
    %mul3A_6 = arith.constant 393216 : i32
    %mul3A_7 = arith.muli %add3A, %mul3A_6 : i32
    %add3A_8 = arith.constant 0 : i32
    %add3A_9 = arith.addi %mul3A_7, %add3A_8 : i32
    %dma_start3A = tpu.memref_slice %arg2[%add3A_9] : memref<12582912xf32, #tpu.memory_space<hbm>> -> memref<16384xf32, #tpu.memory_space<hbm>>
    %dma_start3A_10 = tpu.memref_slice %arg2[%add3A_9] : memref<12582912xf32, #tpu.memory_space<hbm>> -> memref<16384xf32, #tpu.memory_space<hbm>>
    tpu.enqueue_dma source(%arg3 : memref<16384xf32, #tpu.memory_space<vmem>>) target(%dma_start3A_10 : memref<16384xf32, #tpu.memory_space<hbm>>) target_semaphore(%arg4 : memref<!tpu.dma_semaphore, #tpu.memory_space<semaphore_mem>>)
    %add3A_11 = arith.constant 16384 : i32
    %add3A_12 = arith.addi %mul3A_7, %add3A_11 : i32
    %dma_start3A_13 = tpu.memref_slice %arg2[%add3A_12] : memref<12582912xf32, #tpu.memory_space<hbm>> -> memref<16384xf32, #tpu.memory_space<hbm>>
    %dma_start3A_14 = tpu.memref_slice %arg2[%add3A_12] : memref<12582912xf32, #tpu.memory_space<hbm>> -> memref<16384xf32, #tpu.memory_space<hbm>>
    tpu.enqueue_dma source(%arg3 : memref<16384xf32, #tpu.memory_space<vmem>>) target(%dma_start3A_14 : memref<16384xf32, #tpu.memory_space<hbm>>) target_semaphore(%arg4 : memref<!tpu.dma_semaphore, #tpu.memory_space<semaphore_mem>>)
    %add3A_15 = arith.constant 32768 : i32
    %add3A_16 = arith.addi %mul3A_7, %add3A_15 : i32
    %dma_start3A_17 = tpu.memref_slice %arg2[%add3A_16] : memref<12582912xf32, #tpu.memory_space<hbm>> -> memref<16384xf32, #tpu.memory_space<hbm>>
    %dma_start3A_18 = tpu.memref_slice %arg2[%add3A_16] : memref<12582912xf32, #tpu.memory_space<hbm>> -> memref<16384xf32, #tpu.memory_space<hbm>>
    tpu.enqueue_dma source(%arg3 : memref<16384xf32, #tpu.memory_space<vmem>>) target(%dma_start3A_18 : memref<16384xf32, #tpu.memory_space<hbm>>) target_semaphore(%arg4 : memref<!tpu.dma_semaphore, #tpu.memory_space<semaphore_mem>>)
    %add3A_19 = arith.constant 49152 : i32
    %add3A_20 = arith.addi %mul3A_7, %add3A_19 : i32
    %dma_start3A_21 = tpu.memref_slice %arg2[%add3A_20] : memref<12582912xf32, #tpu.memory_space<hbm>> -> memref<16384xf32, #tpu.memory_space<hbm>>
    %dma_start3A_22 = tpu.memref_slice %arg2[%add3A_20] : memref<12582912xf32, #tpu.memory_space<hbm>> -> memref<16384xf32, #tpu.memory_space<hbm>>
    tpu.enqueue_dma source(%arg3 : memref<16384xf32, #tpu.memory_space<vmem>>) target(%dma_start3A_22 : memref<16384xf32, #tpu.memory_space<hbm>>) target_semaphore(%arg4 : memref<!tpu.dma_semaphore, #tpu.memory_space<semaphore_mem>>)
    %add3A_23 = arith.constant 65536 : i32
    %add3A_24 = arith.addi %mul3A_7, %add3A_23 : i32
    %dma_start3A_25 = tpu.memref_slice %arg2[%add3A_24] : memref<12582912xf32, #tpu.memory_space<hbm>> -> memref<16384xf32, #tpu.memory_space<hbm>>
    %dma_start3A_26 = tpu.memref_slice %arg2[%add3A_24] : memref<12582912xf32, #tpu.memory_space<hbm>> -> memref<16384xf32, #tpu.memory_space<hbm>>
    tpu.enqueue_dma source(%arg3 : memref<16384xf32, #tpu.memory_space<vmem>>) target(%dma_start3A_26 : memref<16384xf32, #tpu.memory_space<hbm>>) target_semaphore(%arg4 : memref<!tpu.dma_semaphore, #tpu.memory_space<semaphore_mem>>)
    %add3A_27 = arith.constant 81920 : i32
    %add3A_28 = arith.addi %mul3A_7, %add3A_27 : i32
    %dma_start3A_29 = tpu.memref_slice %arg2[%add3A_28] : memref<12582912xf32, #tpu.memory_space<hbm>> -> memref<16384xf32, #tpu.memory_space<hbm>>
    %dma_start3A_30 = tpu.memref_slice %arg2[%add3A_28] : memref<12582912xf32, #tpu.memory_space<hbm>> -> memref<16384xf32, #tpu.memory_space<hbm>>
    tpu.enqueue_dma source(%arg3 : memref<16384xf32, #tpu.memory_space<vmem>>) target(%dma_start3A_30 : memref<16384xf32, #tpu.memory_space<hbm>>) target_semaphore(%arg4 : memref<!tpu.dma_semaphore, #tpu.memory_space<semaphore_mem>>)
    %add3A_31 = arith.constant 98304 : i32
    %add3A_32 = arith.addi %mul3A_7, %add3A_31 : i32
    %dma_start3A_33 = tpu.memref_slice %arg2[%add3A_32] : memref<12582912xf32, #tpu.memory_space<hbm>> -> memref<16384xf32, #tpu.memory_space<hbm>>
    %dma_start3A_34 = tpu.memref_slice %arg2[%add3A_32] : memref<12582912xf32, #tpu.memory_space<hbm>> -> memref<16384xf32, #tpu.memory_space<hbm>>
    tpu.enqueue_dma source(%arg3 : memref<16384xf32, #tpu.memory_space<vmem>>) target(%dma_start3A_34 : memref<16384xf32, #tpu.memory_space<hbm>>) target_semaphore(%arg4 : memref<!tpu.dma_semaphore, #tpu.memory_space<semaphore_mem>>)
    %add3A_35 = arith.constant 114688 : i32
    %add3A_36 = arith.addi %mul3A_7, %add3A_35 : i32
    %dma_start3A_37 = tpu.memref_slice %arg2[%add3A_36] : memref<12582912xf32, #tpu.memory_space<hbm>> -> memref<16384xf32, #tpu.memory_space<hbm>>
    %dma_start3A_38 = tpu.memref_slice %arg2[%add3A_36] : memref<12582912xf32, #tpu.memory_space<hbm>> -> memref<16384xf32, #tpu.memory_space<hbm>>
    tpu.enqueue_dma source(%arg3 : memref<16384xf32, #tpu.memory_space<vmem>>) target(%dma_start3A_38 : memref<16384xf32, #tpu.memory_space<hbm>>) target_semaphore(%arg4 : memref<!tpu.dma_semaphore, #tpu.memory_space<semaphore_mem>>)
    %add3A_39 = arith.constant 131072 : i32
    %add3A_40 = arith.addi %mul3A_7, %add3A_39 : i32
    %dma_start3A_41 = tpu.memref_slice %arg2[%add3A_40] : memref<12582912xf32, #tpu.memory_space<hbm>> -> memref<16384xf32, #tpu.memory_space<hbm>>
    %dma_start3A_42 = tpu.memref_slice %arg2[%add3A_40] : memref<12582912xf32, #tpu.memory_space<hbm>> -> memref<16384xf32, #tpu.memory_space<hbm>>
    tpu.enqueue_dma source(%arg3 : memref<16384xf32, #tpu.memory_space<vmem>>) target(%dma_start3A_42 : memref<16384xf32, #tpu.memory_space<hbm>>) target_semaphore(%arg4 : memref<!tpu.dma_semaphore, #tpu.memory_space<semaphore_mem>>)
    %add3A_43 = arith.constant 147456 : i32
    %add3A_44 = arith.addi %mul3A_7, %add3A_43 : i32
    %dma_start3A_45 = tpu.memref_slice %arg2[%add3A_44] : memref<12582912xf32, #tpu.memory_space<hbm>> -> memref<16384xf32, #tpu.memory_space<hbm>>
    %dma_start3A_46 = tpu.memref_slice %arg2[%add3A_44] : memref<12582912xf32, #tpu.memory_space<hbm>> -> memref<16384xf32, #tpu.memory_space<hbm>>
    tpu.enqueue_dma source(%arg3 : memref<16384xf32, #tpu.memory_space<vmem>>) target(%dma_start3A_46 : memref<16384xf32, #tpu.memory_space<hbm>>) target_semaphore(%arg4 : memref<!tpu.dma_semaphore, #tpu.memory_space<semaphore_mem>>)
    %add3A_47 = arith.constant 163840 : i32
    %add3A_48 = arith.addi %mul3A_7, %add3A_47 : i32
    %dma_start3A_49 = tpu.memref_slice %arg2[%add3A_48] : memref<12582912xf32, #tpu.memory_space<hbm>> -> memref<16384xf32, #tpu.memory_space<hbm>>
    %dma_start3A_50 = tpu.memref_slice %arg2[%add3A_48] : memref<12582912xf32, #tpu.memory_space<hbm>> -> memref<16384xf32, #tpu.memory_space<hbm>>
    tpu.enqueue_dma source(%arg3 : memref<16384xf32, #tpu.memory_space<vmem>>) target(%dma_start3A_50 : memref<16384xf32, #tpu.memory_space<hbm>>) target_semaphore(%arg4 : memref<!tpu.dma_semaphore, #tpu.memory_space<semaphore_mem>>)
    %add3A_51 = arith.constant 180224 : i32
    %add3A_52 = arith.addi %mul3A_7, %add3A_51 : i32
    %dma_start3A_53 = tpu.memref_slice %arg2[%add3A_52] : memref<12582912xf32, #tpu.memory_space<hbm>> -> memref<16384xf32, #tpu.memory_space<hbm>>
    %dma_start3A_54 = tpu.memref_slice %arg2[%add3A_52] : memref<12582912xf32, #tpu.memory_space<hbm>> -> memref<16384xf32, #tpu.memory_space<hbm>>
    tpu.enqueue_dma source(%arg3 : memref<16384xf32, #tpu.memory_space<vmem>>) target(%dma_start3A_54 : memref<16384xf32, #tpu.memory_space<hbm>>) target_semaphore(%arg4 : memref<!tpu.dma_semaphore, #tpu.memory_space<semaphore_mem>>)
    %add3A_55 = arith.constant 196608 : i32
    %add3A_56 = arith.addi %mul3A_7, %add3A_55 : i32
    %dma_start3A_57 = tpu.memref_slice %arg2[%add3A_56] : memref<12582912xf32, #tpu.memory_space<hbm>> -> memref<16384xf32, #tpu.memory_space<hbm>>
    %dma_start3A_58 = tpu.memref_slice %arg2[%add3A_56] : memref<12582912xf32, #tpu.memory_space<hbm>> -> memref<16384xf32, #tpu.memory_space<hbm>>
    tpu.enqueue_dma source(%arg3 : memref<16384xf32, #tpu.memory_space<vmem>>) target(%dma_start3A_58 : memref<16384xf32, #tpu.memory_space<hbm>>) target_semaphore(%arg4 : memref<!tpu.dma_semaphore, #tpu.memory_space<semaphore_mem>>)
    %add3A_59 = arith.constant 212992 : i32
    %add3A_60 = arith.addi %mul3A_7, %add3A_59 : i32
    %dma_start3A_61 = tpu.memref_slice %arg2[%add3A_60] : memref<12582912xf32, #tpu.memory_space<hbm>> -> memref<16384xf32, #tpu.memory_space<hbm>>
    %dma_start3A_62 = tpu.memref_slice %arg2[%add3A_60] : memref<12582912xf32, #tpu.memory_space<hbm>> -> memref<16384xf32, #tpu.memory_space<hbm>>
    tpu.enqueue_dma source(%arg3 : memref<16384xf32, #tpu.memory_space<vmem>>) target(%dma_start3A_62 : memref<16384xf32, #tpu.memory_space<hbm>>) target_semaphore(%arg4 : memref<!tpu.dma_semaphore, #tpu.memory_space<semaphore_mem>>)
    %add3A_63 = arith.constant 229376 : i32
    %add3A_64 = arith.addi %mul3A_7, %add3A_63 : i32
    %dma_start3A_65 = tpu.memref_slice %arg2[%add3A_64] : memref<12582912xf32, #tpu.memory_space<hbm>> -> memref<16384xf32, #tpu.memory_space<hbm>>
    %dma_start3A_66 = tpu.memref_slice %arg2[%add3A_64] : memref<12582912xf32, #tpu.memory_space<hbm>> -> memref<16384xf32, #tpu.memory_space<hbm>>
    tpu.enqueue_dma source(%arg3 : memref<16384xf32, #tpu.memory_space<vmem>>) target(%dma_start3A_66 : memref<16384xf32, #tpu.memory_space<hbm>>) target_semaphore(%arg4 : memref<!tpu.dma_semaphore, #tpu.memory_space<semaphore_mem>>)
    %add3A_67 = arith.constant 245760 : i32
    %add3A_68 = arith.addi %mul3A_7, %add3A_67 : i32
    %dma_start3A_69 = tpu.memref_slice %arg2[%add3A_68] : memref<12582912xf32, #tpu.memory_space<hbm>> -> memref<16384xf32, #tpu.memory_space<hbm>>
    %dma_start3A_70 = tpu.memref_slice %arg2[%add3A_68] : memref<12582912xf32, #tpu.memory_space<hbm>> -> memref<16384xf32, #tpu.memory_space<hbm>>
    tpu.enqueue_dma source(%arg3 : memref<16384xf32, #tpu.memory_space<vmem>>) target(%dma_start3A_70 : memref<16384xf32, #tpu.memory_space<hbm>>) target_semaphore(%arg4 : memref<!tpu.dma_semaphore, #tpu.memory_space<semaphore_mem>>)
    %add3A_71 = arith.constant 262144 : i32
    %add3A_72 = arith.addi %mul3A_7, %add3A_71 : i32
    %dma_start3A_73 = tpu.memref_slice %arg2[%add3A_72] : memref<12582912xf32, #tpu.memory_space<hbm>> -> memref<16384xf32, #tpu.memory_space<hbm>>
    %dma_start3A_74 = tpu.memref_slice %arg2[%add3A_72] : memref<12582912xf32, #tpu.memory_space<hbm>> -> memref<16384xf32, #tpu.memory_space<hbm>>
    tpu.enqueue_dma source(%arg3 : memref<16384xf32, #tpu.memory_space<vmem>>) target(%dma_start3A_74 : memref<16384xf32, #tpu.memory_space<hbm>>) target_semaphore(%arg4 : memref<!tpu.dma_semaphore, #tpu.memory_space<semaphore_mem>>)
    %add3A_75 = arith.constant 278528 : i32
    %add3A_76 = arith.addi %mul3A_7, %add3A_75 : i32
    %dma_start3A_77 = tpu.memref_slice %arg2[%add3A_76] : memref<12582912xf32, #tpu.memory_space<hbm>> -> memref<16384xf32, #tpu.memory_space<hbm>>
    %dma_start3A_78 = tpu.memref_slice %arg2[%add3A_76] : memref<12582912xf32, #tpu.memory_space<hbm>> -> memref<16384xf32, #tpu.memory_space<hbm>>
    tpu.enqueue_dma source(%arg3 : memref<16384xf32, #tpu.memory_space<vmem>>) target(%dma_start3A_78 : memref<16384xf32, #tpu.memory_space<hbm>>) target_semaphore(%arg4 : memref<!tpu.dma_semaphore, #tpu.memory_space<semaphore_mem>>)
    %add3A_79 = arith.constant 294912 : i32
    %add3A_80 = arith.addi %mul3A_7, %add3A_79 : i32
    %dma_start3A_81 = tpu.memref_slice %arg2[%add3A_80] : memref<12582912xf32, #tpu.memory_space<hbm>> -> memref<16384xf32, #tpu.memory_space<hbm>>
    %dma_start3A_82 = tpu.memref_slice %arg2[%add3A_80] : memref<12582912xf32, #tpu.memory_space<hbm>> -> memref<16384xf32, #tpu.memory_space<hbm>>
    tpu.enqueue_dma source(%arg3 : memref<16384xf32, #tpu.memory_space<vmem>>) target(%dma_start3A_82 : memref<16384xf32, #tpu.memory_space<hbm>>) target_semaphore(%arg4 : memref<!tpu.dma_semaphore, #tpu.memory_space<semaphore_mem>>)
    %add3A_83 = arith.constant 311296 : i32
    %add3A_84 = arith.addi %mul3A_7, %add3A_83 : i32
    %dma_start3A_85 = tpu.memref_slice %arg2[%add3A_84] : memref<12582912xf32, #tpu.memory_space<hbm>> -> memref<16384xf32, #tpu.memory_space<hbm>>
    %dma_start3A_86 = tpu.memref_slice %arg2[%add3A_84] : memref<12582912xf32, #tpu.memory_space<hbm>> -> memref<16384xf32, #tpu.memory_space<hbm>>
    tpu.enqueue_dma source(%arg3 : memref<16384xf32, #tpu.memory_space<vmem>>) target(%dma_start3A_86 : memref<16384xf32, #tpu.memory_space<hbm>>) target_semaphore(%arg4 : memref<!tpu.dma_semaphore, #tpu.memory_space<semaphore_mem>>)
    %add3A_87 = arith.constant 327680 : i32
    %add3A_88 = arith.addi %mul3A_7, %add3A_87 : i32
    %dma_start3A_89 = tpu.memref_slice %arg2[%add3A_88] : memref<12582912xf32, #tpu.memory_space<hbm>> -> memref<16384xf32, #tpu.memory_space<hbm>>
    %dma_start3A_90 = tpu.memref_slice %arg2[%add3A_88] : memref<12582912xf32, #tpu.memory_space<hbm>> -> memref<16384xf32, #tpu.memory_space<hbm>>
    tpu.enqueue_dma source(%arg3 : memref<16384xf32, #tpu.memory_space<vmem>>) target(%dma_start3A_90 : memref<16384xf32, #tpu.memory_space<hbm>>) target_semaphore(%arg4 : memref<!tpu.dma_semaphore, #tpu.memory_space<semaphore_mem>>)
    %add3A_91 = arith.constant 344064 : i32
    %add3A_92 = arith.addi %mul3A_7, %add3A_91 : i32
    %dma_start3A_93 = tpu.memref_slice %arg2[%add3A_92] : memref<12582912xf32, #tpu.memory_space<hbm>> -> memref<16384xf32, #tpu.memory_space<hbm>>
    %dma_start3A_94 = tpu.memref_slice %arg2[%add3A_92] : memref<12582912xf32, #tpu.memory_space<hbm>> -> memref<16384xf32, #tpu.memory_space<hbm>>
    tpu.enqueue_dma source(%arg3 : memref<16384xf32, #tpu.memory_space<vmem>>) target(%dma_start3A_94 : memref<16384xf32, #tpu.memory_space<hbm>>) target_semaphore(%arg4 : memref<!tpu.dma_semaphore, #tpu.memory_space<semaphore_mem>>)
    %add3A_95 = arith.constant 360448 : i32
    %add3A_96 = arith.addi %mul3A_7, %add3A_95 : i32
    %dma_start3A_97 = tpu.memref_slice %arg2[%add3A_96] : memref<12582912xf32, #tpu.memory_space<hbm>> -> memref<16384xf32, #tpu.memory_space<hbm>>
    %dma_start3A_98 = tpu.memref_slice %arg2[%add3A_96] : memref<12582912xf32, #tpu.memory_space<hbm>> -> memref<16384xf32, #tpu.memory_space<hbm>>
    tpu.enqueue_dma source(%arg3 : memref<16384xf32, #tpu.memory_space<vmem>>) target(%dma_start3A_98 : memref<16384xf32, #tpu.memory_space<hbm>>) target_semaphore(%arg4 : memref<!tpu.dma_semaphore, #tpu.memory_space<semaphore_mem>>)
    %add3A_99 = arith.constant 376832 : i32
    %add3A_100 = arith.addi %mul3A_7, %add3A_99 : i32
    %dma_start3A_101 = tpu.memref_slice %arg2[%add3A_100] : memref<12582912xf32, #tpu.memory_space<hbm>> -> memref<16384xf32, #tpu.memory_space<hbm>>
    %dma_start3A_102 = tpu.memref_slice %arg2[%add3A_100] : memref<12582912xf32, #tpu.memory_space<hbm>> -> memref<16384xf32, #tpu.memory_space<hbm>>
    tpu.enqueue_dma source(%arg3 : memref<16384xf32, #tpu.memory_space<vmem>>) target(%dma_start3A_102 : memref<16384xf32, #tpu.memory_space<hbm>>) target_semaphore(%arg4 : memref<!tpu.dma_semaphore, #tpu.memory_space<semaphore_mem>>)
    %dma_wait3A = tpu.memref_slice %arg2[%add3A_9] : memref<12582912xf32, #tpu.memory_space<hbm>> -> memref<16384xf32, #tpu.memory_space<hbm>>
    %dma_wait3A_103 = tpu.memref_slice %arg2[%add3A_9] : memref<12582912xf32, #tpu.memory_space<hbm>> -> memref<16384xf32, #tpu.memory_space<hbm>>
    tpu.wait_dma2 semaphore(%arg4 : memref<!tpu.dma_semaphore, #tpu.memory_space<semaphore_mem>>) src(%arg3 : memref<16384xf32, #tpu.memory_space<vmem>>) dst(%dma_wait3A_103 : memref<16384xf32, #tpu.memory_space<hbm>>)
    %dma_wait3A_104 = tpu.memref_slice %arg2[%add3A_12] : memref<12582912xf32, #tpu.memory_space<hbm>> -> memref<16384xf32, #tpu.memory_space<hbm>>
    %dma_wait3A_105 = tpu.memref_slice %arg2[%add3A_12] : memref<12582912xf32, #tpu.memory_space<hbm>> -> memref<16384xf32, #tpu.memory_space<hbm>>
    tpu.wait_dma2 semaphore(%arg4 : memref<!tpu.dma_semaphore, #tpu.memory_space<semaphore_mem>>) src(%arg3 : memref<16384xf32, #tpu.memory_space<vmem>>) dst(%dma_wait3A_105 : memref<16384xf32, #tpu.memory_space<hbm>>)
    %dma_wait3A_106 = tpu.memref_slice %arg2[%add3A_16] : memref<12582912xf32, #tpu.memory_space<hbm>> -> memref<16384xf32, #tpu.memory_space<hbm>>
    %dma_wait3A_107 = tpu.memref_slice %arg2[%add3A_16] : memref<12582912xf32, #tpu.memory_space<hbm>> -> memref<16384xf32, #tpu.memory_space<hbm>>
    tpu.wait_dma2 semaphore(%arg4 : memref<!tpu.dma_semaphore, #tpu.memory_space<semaphore_mem>>) src(%arg3 : memref<16384xf32, #tpu.memory_space<vmem>>) dst(%dma_wait3A_107 : memref<16384xf32, #tpu.memory_space<hbm>>)
    %dma_wait3A_108 = tpu.memref_slice %arg2[%add3A_20] : memref<12582912xf32, #tpu.memory_space<hbm>> -> memref<16384xf32, #tpu.memory_space<hbm>>
    %dma_wait3A_109 = tpu.memref_slice %arg2[%add3A_20] : memref<12582912xf32, #tpu.memory_space<hbm>> -> memref<16384xf32, #tpu.memory_space<hbm>>
    tpu.wait_dma2 semaphore(%arg4 : memref<!tpu.dma_semaphore, #tpu.memory_space<semaphore_mem>>) src(%arg3 : memref<16384xf32, #tpu.memory_space<vmem>>) dst(%dma_wait3A_109 : memref<16384xf32, #tpu.memory_space<hbm>>)
    %dma_wait3A_110 = tpu.memref_slice %arg2[%add3A_24] : memref<12582912xf32, #tpu.memory_space<hbm>> -> memref<16384xf32, #tpu.memory_space<hbm>>
    %dma_wait3A_111 = tpu.memref_slice %arg2[%add3A_24] : memref<12582912xf32, #tpu.memory_space<hbm>> -> memref<16384xf32, #tpu.memory_space<hbm>>
    tpu.wait_dma2 semaphore(%arg4 : memref<!tpu.dma_semaphore, #tpu.memory_space<semaphore_mem>>) src(%arg3 : memref<16384xf32, #tpu.memory_space<vmem>>) dst(%dma_wait3A_111 : memref<16384xf32, #tpu.memory_space<hbm>>)
    %dma_wait3A_112 = tpu.memref_slice %arg2[%add3A_28] : memref<12582912xf32, #tpu.memory_space<hbm>> -> memref<16384xf32, #tpu.memory_space<hbm>>
    %dma_wait3A_113 = tpu.memref_slice %arg2[%add3A_28] : memref<12582912xf32, #tpu.memory_space<hbm>> -> memref<16384xf32, #tpu.memory_space<hbm>>
    tpu.wait_dma2 semaphore(%arg4 : memref<!tpu.dma_semaphore, #tpu.memory_space<semaphore_mem>>) src(%arg3 : memref<16384xf32, #tpu.memory_space<vmem>>) dst(%dma_wait3A_113 : memref<16384xf32, #tpu.memory_space<hbm>>)
    %dma_wait3A_114 = tpu.memref_slice %arg2[%add3A_32] : memref<12582912xf32, #tpu.memory_space<hbm>> -> memref<16384xf32, #tpu.memory_space<hbm>>
    %dma_wait3A_115 = tpu.memref_slice %arg2[%add3A_32] : memref<12582912xf32, #tpu.memory_space<hbm>> -> memref<16384xf32, #tpu.memory_space<hbm>>
    tpu.wait_dma2 semaphore(%arg4 : memref<!tpu.dma_semaphore, #tpu.memory_space<semaphore_mem>>) src(%arg3 : memref<16384xf32, #tpu.memory_space<vmem>>) dst(%dma_wait3A_115 : memref<16384xf32, #tpu.memory_space<hbm>>)
    %dma_wait3A_116 = tpu.memref_slice %arg2[%add3A_36] : memref<12582912xf32, #tpu.memory_space<hbm>> -> memref<16384xf32, #tpu.memory_space<hbm>>
    %dma_wait3A_117 = tpu.memref_slice %arg2[%add3A_36] : memref<12582912xf32, #tpu.memory_space<hbm>> -> memref<16384xf32, #tpu.memory_space<hbm>>
    tpu.wait_dma2 semaphore(%arg4 : memref<!tpu.dma_semaphore, #tpu.memory_space<semaphore_mem>>) src(%arg3 : memref<16384xf32, #tpu.memory_space<vmem>>) dst(%dma_wait3A_117 : memref<16384xf32, #tpu.memory_space<hbm>>)
    %dma_wait3A_118 = tpu.memref_slice %arg2[%add3A_40] : memref<12582912xf32, #tpu.memory_space<hbm>> -> memref<16384xf32, #tpu.memory_space<hbm>>
    %dma_wait3A_119 = tpu.memref_slice %arg2[%add3A_40] : memref<12582912xf32, #tpu.memory_space<hbm>> -> memref<16384xf32, #tpu.memory_space<hbm>>
    tpu.wait_dma2 semaphore(%arg4 : memref<!tpu.dma_semaphore, #tpu.memory_space<semaphore_mem>>) src(%arg3 : memref<16384xf32, #tpu.memory_space<vmem>>) dst(%dma_wait3A_119 : memref<16384xf32, #tpu.memory_space<hbm>>)
    %dma_wait3A_120 = tpu.memref_slice %arg2[%add3A_44] : memref<12582912xf32, #tpu.memory_space<hbm>> -> memref<16384xf32, #tpu.memory_space<hbm>>
    %dma_wait3A_121 = tpu.memref_slice %arg2[%add3A_44] : memref<12582912xf32, #tpu.memory_space<hbm>> -> memref<16384xf32, #tpu.memory_space<hbm>>
    tpu.wait_dma2 semaphore(%arg4 : memref<!tpu.dma_semaphore, #tpu.memory_space<semaphore_mem>>) src(%arg3 : memref<16384xf32, #tpu.memory_space<vmem>>) dst(%dma_wait3A_121 : memref<16384xf32, #tpu.memory_space<hbm>>)
    %dma_wait3A_122 = tpu.memref_slice %arg2[%add3A_48] : memref<12582912xf32, #tpu.memory_space<hbm>> -> memref<16384xf32, #tpu.memory_space<hbm>>
    %dma_wait3A_123 = tpu.memref_slice %arg2[%add3A_48] : memref<12582912xf32, #tpu.memory_space<hbm>> -> memref<16384xf32, #tpu.memory_space<hbm>>
    tpu.wait_dma2 semaphore(%arg4 : memref<!tpu.dma_semaphore, #tpu.memory_space<semaphore_mem>>) src(%arg3 : memref<16384xf32, #tpu.memory_space<vmem>>) dst(%dma_wait3A_123 : memref<16384xf32, #tpu.memory_space<hbm>>)
    %dma_wait3A_124 = tpu.memref_slice %arg2[%add3A_52] : memref<12582912xf32, #tpu.memory_space<hbm>> -> memref<16384xf32, #tpu.memory_space<hbm>>
    %dma_wait3A_125 = tpu.memref_slice %arg2[%add3A_52] : memref<12582912xf32, #tpu.memory_space<hbm>> -> memref<16384xf32, #tpu.memory_space<hbm>>
    tpu.wait_dma2 semaphore(%arg4 : memref<!tpu.dma_semaphore, #tpu.memory_space<semaphore_mem>>) src(%arg3 : memref<16384xf32, #tpu.memory_space<vmem>>) dst(%dma_wait3A_125 : memref<16384xf32, #tpu.memory_space<hbm>>)
    %dma_wait3A_126 = tpu.memref_slice %arg2[%add3A_56] : memref<12582912xf32, #tpu.memory_space<hbm>> -> memref<16384xf32, #tpu.memory_space<hbm>>
    %dma_wait3A_127 = tpu.memref_slice %arg2[%add3A_56] : memref<12582912xf32, #tpu.memory_space<hbm>> -> memref<16384xf32, #tpu.memory_space<hbm>>
    tpu.wait_dma2 semaphore(%arg4 : memref<!tpu.dma_semaphore, #tpu.memory_space<semaphore_mem>>) src(%arg3 : memref<16384xf32, #tpu.memory_space<vmem>>) dst(%dma_wait3A_127 : memref<16384xf32, #tpu.memory_space<hbm>>)
    %dma_wait3A_128 = tpu.memref_slice %arg2[%add3A_60] : memref<12582912xf32, #tpu.memory_space<hbm>> -> memref<16384xf32, #tpu.memory_space<hbm>>
    %dma_wait3A_129 = tpu.memref_slice %arg2[%add3A_60] : memref<12582912xf32, #tpu.memory_space<hbm>> -> memref<16384xf32, #tpu.memory_space<hbm>>
    tpu.wait_dma2 semaphore(%arg4 : memref<!tpu.dma_semaphore, #tpu.memory_space<semaphore_mem>>) src(%arg3 : memref<16384xf32, #tpu.memory_space<vmem>>) dst(%dma_wait3A_129 : memref<16384xf32, #tpu.memory_space<hbm>>)
    %dma_wait3A_130 = tpu.memref_slice %arg2[%add3A_64] : memref<12582912xf32, #tpu.memory_space<hbm>> -> memref<16384xf32, #tpu.memory_space<hbm>>
    %dma_wait3A_131 = tpu.memref_slice %arg2[%add3A_64] : memref<12582912xf32, #tpu.memory_space<hbm>> -> memref<16384xf32, #tpu.memory_space<hbm>>
    tpu.wait_dma2 semaphore(%arg4 : memref<!tpu.dma_semaphore, #tpu.memory_space<semaphore_mem>>) src(%arg3 : memref<16384xf32, #tpu.memory_space<vmem>>) dst(%dma_wait3A_131 : memref<16384xf32, #tpu.memory_space<hbm>>)
    %dma_wait3A_132 = tpu.memref_slice %arg2[%add3A_68] : memref<12582912xf32, #tpu.memory_space<hbm>> -> memref<16384xf32, #tpu.memory_space<hbm>>
    %dma_wait3A_133 = tpu.memref_slice %arg2[%add3A_68] : memref<12582912xf32, #tpu.memory_space<hbm>> -> memref<16384xf32, #tpu.memory_space<hbm>>
    tpu.wait_dma2 semaphore(%arg4 : memref<!tpu.dma_semaphore, #tpu.memory_space<semaphore_mem>>) src(%arg3 : memref<16384xf32, #tpu.memory_space<vmem>>) dst(%dma_wait3A_133 : memref<16384xf32, #tpu.memory_space<hbm>>)
    %dma_wait3A_134 = tpu.memref_slice %arg2[%add3A_72] : memref<12582912xf32, #tpu.memory_space<hbm>> -> memref<16384xf32, #tpu.memory_space<hbm>>
    %dma_wait3A_135 = tpu.memref_slice %arg2[%add3A_72] : memref<12582912xf32, #tpu.memory_space<hbm>> -> memref<16384xf32, #tpu.memory_space<hbm>>
    tpu.wait_dma2 semaphore(%arg4 : memref<!tpu.dma_semaphore, #tpu.memory_space<semaphore_mem>>) src(%arg3 : memref<16384xf32, #tpu.memory_space<vmem>>) dst(%dma_wait3A_135 : memref<16384xf32, #tpu.memory_space<hbm>>)
    %dma_wait3A_136 = tpu.memref_slice %arg2[%add3A_76] : memref<12582912xf32, #tpu.memory_space<hbm>> -> memref<16384xf32, #tpu.memory_space<hbm>>
    %dma_wait3A_137 = tpu.memref_slice %arg2[%add3A_76] : memref<12582912xf32, #tpu.memory_space<hbm>> -> memref<16384xf32, #tpu.memory_space<hbm>>
    tpu.wait_dma2 semaphore(%arg4 : memref<!tpu.dma_semaphore, #tpu.memory_space<semaphore_mem>>) src(%arg3 : memref<16384xf32, #tpu.memory_space<vmem>>) dst(%dma_wait3A_137 : memref<16384xf32, #tpu.memory_space<hbm>>)
    %dma_wait3A_138 = tpu.memref_slice %arg2[%add3A_80] : memref<12582912xf32, #tpu.memory_space<hbm>> -> memref<16384xf32, #tpu.memory_space<hbm>>
    %dma_wait3A_139 = tpu.memref_slice %arg2[%add3A_80] : memref<12582912xf32, #tpu.memory_space<hbm>> -> memref<16384xf32, #tpu.memory_space<hbm>>
    tpu.wait_dma2 semaphore(%arg4 : memref<!tpu.dma_semaphore, #tpu.memory_space<semaphore_mem>>) src(%arg3 : memref<16384xf32, #tpu.memory_space<vmem>>) dst(%dma_wait3A_139 : memref<16384xf32, #tpu.memory_space<hbm>>)
    %dma_wait3A_140 = tpu.memref_slice %arg2[%add3A_84] : memref<12582912xf32, #tpu.memory_space<hbm>> -> memref<16384xf32, #tpu.memory_space<hbm>>
    %dma_wait3A_141 = tpu.memref_slice %arg2[%add3A_84] : memref<12582912xf32, #tpu.memory_space<hbm>> -> memref<16384xf32, #tpu.memory_space<hbm>>
    tpu.wait_dma2 semaphore(%arg4 : memref<!tpu.dma_semaphore, #tpu.memory_space<semaphore_mem>>) src(%arg3 : memref<16384xf32, #tpu.memory_space<vmem>>) dst(%dma_wait3A_141 : memref<16384xf32, #tpu.memory_space<hbm>>)
    %dma_wait3A_142 = tpu.memref_slice %arg2[%add3A_88] : memref<12582912xf32, #tpu.memory_space<hbm>> -> memref<16384xf32, #tpu.memory_space<hbm>>
    %dma_wait3A_143 = tpu.memref_slice %arg2[%add3A_88] : memref<12582912xf32, #tpu.memory_space<hbm>> -> memref<16384xf32, #tpu.memory_space<hbm>>
    tpu.wait_dma2 semaphore(%arg4 : memref<!tpu.dma_semaphore, #tpu.memory_space<semaphore_mem>>) src(%arg3 : memref<16384xf32, #tpu.memory_space<vmem>>) dst(%dma_wait3A_143 : memref<16384xf32, #tpu.memory_space<hbm>>)
    %dma_wait3A_144 = tpu.memref_slice %arg2[%add3A_92] : memref<12582912xf32, #tpu.memory_space<hbm>> -> memref<16384xf32, #tpu.memory_space<hbm>>
    %dma_wait3A_145 = tpu.memref_slice %arg2[%add3A_92] : memref<12582912xf32, #tpu.memory_space<hbm>> -> memref<16384xf32, #tpu.memory_space<hbm>>
    tpu.wait_dma2 semaphore(%arg4 : memref<!tpu.dma_semaphore, #tpu.memory_space<semaphore_mem>>) src(%arg3 : memref<16384xf32, #tpu.memory_space<vmem>>) dst(%dma_wait3A_145 : memref<16384xf32, #tpu.memory_space<hbm>>)
    %dma_wait3A_146 = tpu.memref_slice %arg2[%add3A_96] : memref<12582912xf32, #tpu.memory_space<hbm>> -> memref<16384xf32, #tpu.memory_space<hbm>>
    %dma_wait3A_147 = tpu.memref_slice %arg2[%add3A_96] : memref<12582912xf32, #tpu.memory_space<hbm>> -> memref<16384xf32, #tpu.memory_space<hbm>>
    tpu.wait_dma2 semaphore(%arg4 : memref<!tpu.dma_semaphore, #tpu.memory_space<semaphore_mem>>) src(%arg3 : memref<16384xf32, #tpu.memory_space<vmem>>) dst(%dma_wait3A_147 : memref<16384xf32, #tpu.memory_space<hbm>>)
    %dma_wait3A_148 = tpu.memref_slice %arg2[%add3A_100] : memref<12582912xf32, #tpu.memory_space<hbm>> -> memref<16384xf32, #tpu.memory_space<hbm>>
    %dma_wait3A_149 = tpu.memref_slice %arg2[%add3A_100] : memref<12582912xf32, #tpu.memory_space<hbm>> -> memref<16384xf32, #tpu.memory_space<hbm>>
    tpu.wait_dma2 semaphore(%arg4 : memref<!tpu.dma_semaphore, #tpu.memory_space<semaphore_mem>>) src(%arg3 : memref<16384xf32, #tpu.memory_space<vmem>>) dst(%dma_wait3A_149 : memref<16384xf32, #tpu.memory_space<hbm>>)
    return
  }
}

module attributes {stable_mosaic.version = 14 : i64} {
  func.func @_gate_loss_kernel(%arg0: i32, %arg1: memref<4096x768xf32, #tpu.memory_space<vmem>>, %arg2: memref<768x64xbf16, #tpu.memory_space<vmem>>, %arg3: memref<1x64xf32, #tpu.memory_space<vmem>>, %arg4: memref<1x1xf32, #tpu.memory_space<vmem>>, %arg5: memref<1x64xf32, #tpu.memory_space<vmem>>, %arg6: memref<1x1xf32, #tpu.memory_space<vmem>>) attributes {dimension_semantics = [#tpu.dimension_semantics<arbitrary>], iteration_bounds = array<i64: 4>, scalar_prefetch = 0 : i64, scratch_operands = 2 : i64, tpu.core_type = #tpu.core_type<tc>, window_params = [{transform_indices = @transform_0, window_bounds = array<i64: 4096, 768>}, {pipeline_mode = #tpu.pipeline_mode<synchronous>, transform_indices = @transform_1, window_bounds = array<i64: 768, 64>}, {pipeline_mode = #tpu.pipeline_mode<synchronous>, transform_indices = @transform_2, window_bounds = array<i64: 1, 64>}, {pipeline_mode = #tpu.pipeline_mode<synchronous>, transform_indices = @transform_3, window_bounds = array<i64: 1, 1>}]} {
    %get3A = arith.constant 0 : index
    %get3A_0 = arith.constant 0 : index
    %get3A_1 = vector.load %arg1[%get3A, %get3A_0] : memref<4096x768xf32, #tpu.memory_space<vmem>>, vector<4096x768xf32>
    %convert_element_type3A = arith.truncf %get3A_1 : vector<4096x768xf32> to vector<4096x768xbf16>
    %get3A_2 = arith.constant 0 : index
    %get3A_3 = arith.constant 0 : index
    %get3A_4 = vector.load %arg2[%get3A_2, %get3A_3] : memref<768x64xbf16, #tpu.memory_space<vmem>>, vector<768x64xbf16>
    %dot_general3A = arith.constant dense<0.000000e+00> : vector<4096x64xf32>
    %dot_general3A_5 = tpu.matmul %convert_element_type3A, %get3A_4, %dot_general3A {dimension_numbers = #tpu.dot_dimension_numbers<[1], [0], [0], [1], [0, 0, 1, 1], [], []>, transpose_lhs_hint = false} : vector<4096x768xbf16>, vector<768x64xbf16>, vector<4096x64xf32> -> vector<4096x64xf32>
    %get3A_6 = arith.constant 0 : index
    %get3A_7 = arith.constant 0 : index
    %get3A_8 = vector.load %arg3[%get3A_6, %get3A_7] : memref<1x64xf32, #tpu.memory_space<vmem>>, vector<1x64xf32>
    %add3A = vector.broadcast %get3A_8 : vector<1x64xf32> to vector<4096x64xf32>
    %add3A_9 = arith.addf %dot_general3A_5, %add3A : vector<4096x64xf32>
    %reduce_max3A = arith.constant dense<0xFF800000> : vector<4096xf32>
    %reduce_max3A_10 = vector.multi_reduction <maximumf>, %add3A_9, %reduce_max3A [1] : vector<4096x64xf32> to vector<4096xf32>
    %broadcast_in_dim3A = vector.shape_cast %reduce_max3A_10 : vector<4096xf32> to vector<4096x1xf32>
    %sub3A = vector.broadcast %broadcast_in_dim3A : vector<4096x1xf32> to vector<4096x64xf32>
    %sub3A_11 = arith.subf %add3A_9, %sub3A : vector<4096x64xf32>
    %exp3A = math.exp %sub3A_11 : vector<4096x64xf32>
    %reduce_sum3A = arith.constant dense<0.000000e+00> : vector<4096xf32>
    %reduce_sum3A_12 = vector.multi_reduction <add>, %exp3A, %reduce_sum3A [1] : vector<4096x64xf32> to vector<4096xf32>
    %broadcast_in_dim3A_13 = vector.shape_cast %reduce_sum3A_12 : vector<4096xf32> to vector<4096x1xf32>
    %mul3A = arith.mulf %exp3A, %sub3A_11 : vector<4096x64xf32>
    %reduce_sum3A_14 = arith.constant dense<0.000000e+00> : vector<4096xf32>
    %reduce_sum3A_15 = vector.multi_reduction <add>, %mul3A, %reduce_sum3A_14 [1] : vector<4096x64xf32> to vector<4096xf32>
    %broadcast_in_dim3A_16 = vector.shape_cast %reduce_sum3A_15 : vector<4096xf32> to vector<4096x1xf32>
    %log3A = math.log %broadcast_in_dim3A_13 : vector<4096x1xf32>
    %div3A = arith.divf %broadcast_in_dim3A_16, %broadcast_in_dim3A_13 : vector<4096x1xf32>
    %sub3A_17 = arith.subf %log3A, %div3A : vector<4096x1xf32>
    %eq3A = arith.constant 0 : i32
    %eq3A_18 = arith.cmpi eq, %arg0, %eq3A : i32
    %convert_element_type3A_19 = arith.extui %eq3A_18 : i1 to i32
    %cond3A = arith.constant 0 : i32
    %cond3A_20 = arith.cmpi ne, %convert_element_type3A_19, %cond3A : i32
    scf.if %cond3A_20 {
      %broadcast_in_dim3A_35 = arith.constant 0.000000e+00 : f32
      %broadcast_in_dim3A_36 = vector.broadcast %broadcast_in_dim3A_35 : f32 to vector<1x1xf32>
      %swap3A_37 = arith.constant 0 : index
      %swap3A_38 = arith.constant 0 : index
      %swap3A_39 = vector.load %arg6[%swap3A_37, %swap3A_38] : memref<1x1xf32, #tpu.memory_space<vmem>>, vector<1x1xf32>
      tpu.vector_store %arg6[%swap3A_37, %swap3A_38], %broadcast_in_dim3A_36 {strides = array<i32>} : memref<1x1xf32, #tpu.memory_space<vmem>>, vector<1x1xf32>,
      %slice3A = vector.extract_strided_slice %add3A_9 {offsets = [0, 0], sizes = [64, 64], strides = [1, 1]} : vector<4096x64xf32> to vector<64x64xf32>
      %slice3A_40 = vector.extract_strided_slice %broadcast_in_dim3A {offsets = [0, 0], sizes = [64, 1], strides = [1, 1]} : vector<4096x1xf32> to vector<64x1xf32>
      %iota3A = tpu.iota {dimensions = array<i32: 1>} : vector<64x64xi32>
      %eq3A_41 = vector.broadcast %slice3A_40 : vector<64x1xf32> to vector<64x64xf32>
      %eq3A_42 = arith.cmpf oeq, %slice3A, %eq3A_41 : vector<64x64xf32>
      %jit3A = arith.constant 64 : i32
      %broadcast_in_dim3A_43 = vector.broadcast %jit3A : i32 to vector<64x64xi32>
      %select_n3A = arith.select %eq3A_42, %iota3A, %broadcast_in_dim3A_43 : vector<64x64xi1>, vector<64x64xi32>
      %reduce_min3A = arith.constant dense<2147483647> : vector<64xi32>
      %reduce_min3A_44 = vector.multi_reduction <minsi>, %select_n3A, %reduce_min3A [1] : vector<64x64xi32> to vector<64xi32>
      %broadcast_in_dim3A_45 = vector.shape_cast %reduce_min3A_44 : vector<64xi32> to vector<64x1xi32>
      %eq3A_46 = vector.broadcast %broadcast_in_dim3A_45 : vector<64x1xi32> to vector<64x64xi32>
      %eq3A_47 = arith.cmpi eq, %iota3A, %eq3A_46 : vector<64x64xi32>
      %jit3A_48 = arith.constant -1.000000e+30 : f32
      %broadcast_in_dim3A_49 = vector.broadcast %jit3A_48 : f32 to vector<64x64xf32>
      %select_n3A_50 = arith.select %eq3A_47, %broadcast_in_dim3A_49, %slice3A : vector<64x64xi1>, vector<64x64xf32>
      %reduce_max3A_51 = arith.constant dense<0xFF800000> : vector<64xf32>
      %reduce_max3A_52 = vector.multi_reduction <maximumf>, %select_n3A_50, %reduce_max3A_51 [1] : vector<64x64xf32> to vector<64xf32>
      %broadcast_in_dim3A_53 = vector.shape_cast %reduce_max3A_52 : vector<64xf32> to vector<64x1xf32>
      %eq3A_54 = vector.broadcast %broadcast_in_dim3A_53 : vector<64x1xf32> to vector<64x64xf32>
      %eq3A_55 = arith.cmpf oeq, %select_n3A_50, %eq3A_54 : vector<64x64xf32>
      %jit3A_56 = arith.constant 64 : i32
      %broadcast_in_dim3A_57 = vector.broadcast %jit3A_56 : i32 to vector<64x64xi32>
      %select_n3A_58 = arith.select %eq3A_55, %iota3A, %broadcast_in_dim3A_57 : vector<64x64xi1>, vector<64x64xi32>
      %reduce_min3A_59 = arith.constant dense<2147483647> : vector<64xi32>
      %reduce_min3A_60 = vector.multi_reduction <minsi>, %select_n3A_58, %reduce_min3A_59 [1] : vector<64x64xi32> to vector<64xi32>
      %broadcast_in_dim3A_61 = vector.shape_cast %reduce_min3A_60 : vector<64xi32> to vector<64x1xi32>
      %iota3A_62 = tpu.iota {dimensions = array<i32: 0>} : vector<64x1xi32>
      %eq3A_63 = arith.cmpi eq, %broadcast_in_dim3A_45, %iota3A_62 : vector<64x1xi32>
      %eq3A_64 = arith.cmpi eq, %broadcast_in_dim3A_61, %iota3A_62 : vector<64x1xi32>
      %or3A = arith.ori %eq3A_63, %eq3A_64 : vector<64x1xi1>
      %convert_element_type3A_65 = arith.extui %or3A : vector<64x1xi1> to vector<64x1xi32>
      %convert_element_type3A_66 = arith.sitofp %convert_element_type3A_65 : vector<64x1xi32> to vector<64x1xf32>
      %eq3A_67 = vector.broadcast %iota3A_62 : vector<64x1xi32> to vector<64x64xi32>
      %eq3A_68 = arith.cmpi eq, %iota3A, %eq3A_67 : vector<64x64xi32>
      %convert_element_type3A_69 = arith.extui %eq3A_68 : vector<64x64xi1> to vector<64x64xi32>
      %convert_element_type3A_70 = arith.sitofp %convert_element_type3A_69 : vector<64x64xi32> to vector<64x64xf32>
      %mul3A_71 = vector.broadcast %convert_element_type3A_66 : vector<64x1xf32> to vector<64x64xf32>
      %mul3A_72 = arith.mulf %convert_element_type3A_70, %mul3A_71 : vector<64x64xf32>
      %reduce_sum3A_73 = arith.constant dense<0.000000e+00> : vector<64xf32>
      %reduce_sum3A_74 = vector.multi_reduction <add>, %mul3A_72, %reduce_sum3A_73 [0] : vector<64x64xf32> to vector<64xf32>
      %broadcast_in_dim3A_75 = vector.shape_cast %reduce_sum3A_74 : vector<64xf32> to vector<1x64xf32>
      %swap3A_76 = arith.constant 0 : index
      %swap3A_77 = arith.constant 0 : index
      %swap3A_78 = vector.load %arg5[%swap3A_76, %swap3A_77] : memref<1x64xf32, #tpu.memory_space<vmem>>, vector<1x64xf32>
      tpu.vector_store %arg5[%swap3A_76, %swap3A_77], %broadcast_in_dim3A_75 {strides = array<i32>} : memref<1x64xf32, #tpu.memory_space<vmem>>, vector<1x64xf32>,
    } else {
    }
    %get3A_21 = arith.constant 0 : index
    %get3A_22 = arith.constant 0 : index
    %get3A_23 = vector.load %arg6[%get3A_21, %get3A_22] : memref<1x1xf32, #tpu.memory_space<vmem>>, vector<1x1xf32>
    %reduce_sum3A_24 = arith.constant dense<0.000000e+00> : vector<1xf32>
    %reduce_sum3A_25 = vector.multi_reduction <add>, %sub3A_17, %reduce_sum3A_24 [0] : vector<4096x1xf32> to vector<1xf32>
    %broadcast_in_dim3A_26 = vector.shape_cast %reduce_sum3A_25 : vector<1xf32> to vector<1x1xf32>
    %add3A_27 = arith.addf %get3A_23, %broadcast_in_dim3A_26 : vector<1x1xf32>
    %swap3A = arith.constant 0 : index
    %swap3A_28 = arith.constant 0 : index
    %swap3A_29 = vector.load %arg6[%swap3A, %swap3A_28] : memref<1x1xf32, #tpu.memory_space<vmem>>, vector<1x1xf32>
    tpu.vector_store %arg6[%swap3A, %swap3A_28], %add3A_27 {strides = array<i32>} : memref<1x1xf32, #tpu.memory_space<vmem>>, vector<1x1xf32>,
    %eq3A_30 = arith.constant 3 : i32
    %eq3A_31 = arith.cmpi eq, %arg0, %eq3A_30 : i32
    %convert_element_type3A_32 = arith.extui %eq3A_31 : i1 to i32
    %cond3A_33 = arith.constant 0 : i32
    %cond3A_34 = arith.cmpi ne, %convert_element_type3A_32, %cond3A_33 : i32
    scf.if %cond3A_34 {
      %get3A_35 = arith.constant 0 : index
      %get3A_36 = arith.constant 0 : index
      %get3A_37 = vector.load %arg5[%get3A_35, %get3A_36] : memref<1x64xf32, #tpu.memory_space<vmem>>, vector<1x64xf32>
      %div3A_38 = arith.constant 1.638400e+04 : f32
      %div3A_39 = vector.broadcast %div3A_38 : f32 to vector<1x64xf32>
      %div3A_40 = arith.divf %get3A_37, %div3A_39 : vector<1x64xf32>
      %sub3A_41 = arith.constant 3.000000e-01 : f32
      %sub3A_42 = vector.broadcast %sub3A_41 : f32 to vector<1x64xf32>
      %sub3A_43 = arith.subf %div3A_40, %sub3A_42 : vector<1x64xf32>
      %max3A = arith.constant 0.000000e+00 : f32
      %max3A_44 = vector.broadcast %max3A : f32 to vector<1x64xf32>
      %max3A_45 = arith.maximumf %sub3A_43, %max3A_44 : vector<1x64xf32>
      %reduce_sum3A_46 = arith.constant dense<0.000000e+00> : vector<1xf32>
      %reduce_sum3A_47 = vector.multi_reduction <add>, %max3A_45, %reduce_sum3A_46 [1] : vector<1x64xf32> to vector<1xf32>
      %broadcast_in_dim3A_48 = vector.shape_cast %reduce_sum3A_47 : vector<1xf32> to vector<1x1xf32>
      %get3A_49 = arith.constant 0 : index
      %get3A_50 = arith.constant 0 : index
      %get3A_51 = vector.load %arg6[%get3A_49, %get3A_50] : memref<1x1xf32, #tpu.memory_space<vmem>>, vector<1x1xf32>
      %mul3A_52 = arith.constant 1.000000e-01 : f32
      %mul3A_53 = vector.broadcast %mul3A_52 : f32 to vector<1x1xf32>
      %mul3A_54 = arith.mulf %mul3A_53, %get3A_51 : vector<1x1xf32>
      %div3A_55 = arith.constant 1.638400e+04 : f32
      %div3A_56 = vector.broadcast %div3A_55 : f32 to vector<1x1xf32>
      %div3A_57 = arith.divf %mul3A_54, %div3A_56 : vector<1x1xf32>
      %add3A_58 = arith.addf %div3A_57, %broadcast_in_dim3A_48 : vector<1x1xf32>
      %swap3A_59 = arith.constant 0 : index
      %swap3A_60 = arith.constant 0 : index
      %swap3A_61 = vector.load %arg4[%swap3A_59, %swap3A_60] : memref<1x1xf32, #tpu.memory_space<vmem>>, vector<1x1xf32>
      tpu.vector_store %arg4[%swap3A_59, %swap3A_60], %add3A_58 {strides = array<i32>} : memref<1x1xf32, #tpu.memory_space<vmem>>, vector<1x1xf32>,
    } else {
    }
    return
  }
  func.func @transform_0(%arg0: i32) -> (i32, i32) {
    %c0_i32 = arith.constant 0 : i32
    %c0_i32_0 = arith.constant 0 : i32
    return %arg0, %c0_i32 : i32, i32
  }
  func.func @transform_1(%arg0: i32) -> (i32, i32) {
    %c0_i32 = arith.constant 0 : i32
    %c0_i32_0 = arith.constant 0 : i32
    %c0_i32_1 = arith.constant 0 : i32
    return %c0_i32, %c0_i32_0 : i32, i32
  }
  func.func @transform_2(%arg0: i32) -> (i32, i32) {
    %c0_i32 = arith.constant 0 : i32
    %c0_i32_0 = arith.constant 0 : i32
    %c0_i32_1 = arith.constant 0 : i32
    return %c0_i32, %c0_i32_0 : i32, i32
  }
  func.func @transform_3(%arg0: i32) -> (i32, i32) {
    %c0_i32 = arith.constant 0 : i32
    %c0_i32_0 = arith.constant 0 : i32
    %c0_i32_1 = arith.constant 0 : i32
    return %c0_i32, %c0_i32_0 : i32, i32
  }
}

</mosaic_0001>

<sc_bundles>
// kernel: kernel.4.cloned.1.call-start
scs
__scs_entry_jumppad:
0x0: {  	(pc) =	sbr.rel $0x88, $3  }
0x1: {  	(tag) =	ssettag $0x0;
	lr =	simm.s32 $0x1  }
0x2: {  	[smem:$0x3F9E] =	sst lr;
	_ =	strace $0xD0000000  }
0x3: {  	_ = 	snop  }
0x4: {  	_ = 	snop  }
0x5: {  	_ = 	snop  }
0x6: {  	_ = 	snop  }
0x7: {  	_ = 	snop  }
__scs_overlays_trampoline_lowered:
0x8: {  	[smem:$0x3FAD] =	sst s0  }
0x9: {  	[smem:$0x3FAE] =	sst s1  }
0xa: {  	[smem:$0x3FAF] =	sst s2  }
0xb: {  	[smem:$0x3FB0] =	sst s3  }
0xc: {  	[smem:$0x3FB1] =	sst s4  }
0xd: {  	[smem:$0x3FB2] =	sst s5  }
0xe: {  	[smem:$0x3FB3] =	sst s6  }
0xf: {  	[smem:$0x3FB4] =	sst s7  }
0x10: {  	[smem:$0x3FB5] =	sst s8  }
0x11: {  	[smem:$0x3FB6] =	sst s9;
	s0 =	simm.s32 @!p0 $0x0  }
0x12: {  	s1 =	sld [smem:$0x3F9C];
	s0 =	simm.s32 @p0 $0x1  }
0x13: {  	[smem:$0x3FB7] =	sst s0;
	s0 =	simm.s32 @!p1 $0x0  }
0x14: {  	s2 =	sld [smem:$0x3F9B];
	s0 =	simm.s32 @p1 $0x1  }
0x15: {  	[smem:$0x3FB8] =	sst s0;
	s0 =	simm.s32 @!p2 $0x0  }
0x16: {  	s3 =	sld [smem:$0x3FDB];
	s0 =	simm.s32 @p2 $0x1  }
0x17: {  	s4 =	simm.s32 $0x1BF5;
	[smem:$0x3FBA] =	sst s0  }
0x18: {  	s0 =	sld [smem:$0x3F9D];
	_ =	swait.ge [sflag:s4], $0x0  }
0x19: {  	s7 =	sld [smem:$0x3F9E]  }
0x1a: {  	s8 =	sadd.s32 $0xFFFFE003, lr  }
0x1b: {  	s9 =	sadd.s32 $0xFFFFFEF7, lr;
	s5 =	simm.s32 $0xFFFFFFFF;
	p2 =	slt.u32 s8, $0xFFFFF086  }
0x1c: {  	p1 =	slt.u32 s9, $0xF7A;
	s5 =	simm.s32 @!p2 $0x0  }
0x1d: {  	s5 =	simm.s32 @p1 $0x1;
	p0 =	seq.s32 s7, s2  }
0x1e: {  	s7 =	smul.u32 @!p0 $0xF7A, s2;
	p2 =	seq.s32 @!p0 s5, $0x0  }
0x1f: {  	s9 =	smul.u32 $0xF7A, s1;
	s8 =	simm.s32 @!p0 $0x1BF5;
	p2 =	por !p2, p0  }
0x20: {  	[sflag:s8] =	ssyncset.s32 @!p0 $0xFFFFF086;
	s6 =	sadd.s32 @!p0 s3, s7;
	s7 =	simm.s32 @!p0 $0x108  }
0x21: {  	s3 =	sadd.s32 s3, s9;
	s6 =	sadd.s32 @!p0 $0x88, s6;
	s7 =	simm.s32 @p2 $0x1082  }
0x22: {  	[simem:s7], [sflag:s8] =	dma.local @!p0 [hbm:s6], $0xF7A  }
0x23: {  	s9 =	sor.u32 $0xD0000000, s2;
	s6 =	simm.s32 $0x108;
	_ =	swait.ge @!p0 [sflag:s8], $0x0  }
0x24: {  	s3 =	sadd.s32 $0x88, s3;
	s6 =	simm.s32 @!p1 $0x1082;
	[sflag:s4] =	ssyncset.s32 $0xFFFFF086  }
0x25: {  	[simem:s6], [sflag:s4] =	dma.local [hbm:s3], $0xF7A  }
0x26: {  	[smem:$0x3F9E] =	sst s1;
	(tag) =	ssettag s2;
	_ =	strace s9  }
0x27: {  	s1 =	sld [smem:$0x3FAE]  }
0x28: {  	s2 =	sld [smem:$0x3FAF]  }
0x29: {  	s4 =	sld [smem:$0x3FB1]  }
0x2a: {  	p0 =	seq.s32 s5, $0x0;
	s5 =	sld [smem:$0x3FB2]  }
0x2b: {  	s6 =	sld [smem:$0x3FB3]  }
0x2c: {  	s7 =	sld [smem:$0x3FB4]  }
0x2d: {  	s3 =	simm.s32 $0x108;
	s8 =	sld [smem:$0x3FB5]  }
0x2e: {  	s3 =	simm.s32 @!p0 $0x1082;
	s9 =	sld [smem:$0x3FB6]  }
0x2f: {  	lr =	sadd.s32 s0, s3;
	s0 =	sld [smem:$0x3FAD]  }
0x30: {  	s3 =	sld [smem:$0x3FB0]  }
0x31: {  	[smem:$0x3FB9] =	sst s10  }
0x32: {  	s10 =	sld [smem:$0x3FB7];
	_ =	sdelay $0x3  }
0x33: {  	p0 =	seq.s32 s10, $0x1;
	s10 =	sld [smem:$0x3FB9];
	_ =	sdelay $0x3  }
0x34: {  	[smem:$0x3FB9] =	sst s10  }
0x35: {  	s10 =	sld [smem:$0x3FB8];
	_ =	sdelay $0x3  }
0x36: {  	p1 =	seq.s32 s10, $0x1;
	s10 =	sld [smem:$0x3FB9];
	_ =	sdelay $0x3  }
0x37: {  	[smem:$0x3FB9] =	sst s10  }
0x38: {  	s10 =	sld [smem:$0x3FBA]  }
0x39: {  	_ = 	snop;
	(pc) =	sbr.ind lr, $3  }
0x3a: {  	_ = 	snop  }
0x3b: {  	_ = 	snop  }
0x3c: {  	p2 =	seq.s32 s10, $0x1;
	s10 =	sld [smem:$0x3FB9]  }
0x3d: {  	_ =	shalt  }
0x3e: {  	_ =	shalt  }
0x3f: {  	_ =	shalt  }
0x40: {  	_ =	shalt  }
0x41: {  	_ =	shalt  }
0x42: {  	_ =	shalt  }
0x43: {  	_ =	shalt  }
0x44: {  	_ =	shalt  }
0x45: {  	_ =	shalt  }
0x46: {  	_ =	shalt  }
0x47: {  	_ =	shalt  }
0x48: {  	_ =	shalt  }
0x49: {  	_ =	shalt  }
0x4a: {  	_ =	shalt  }
0x4b: {  	_ =	shalt  }
0x4c: {  	_ =	shalt  }
0x4d: {  	_ =	shalt  }
0x4e: {  	_ =	shalt  }
0x4f: {  	_ =	shalt  }
0x50: {  	_ =	shalt  }
0x51: {  	_ =	shalt  }
0x52: {  	_ =	shalt  }
0x53: {  	_ =	shalt  }
0x54: {  	_ =	shalt  }
0x55: {  	_ =	shalt  }
0x56: {  	_ =	shalt  }
0x57: {  	_ =	shalt  }
0x58: {  	_ =	shalt  }
0x59: {  	_ =	shalt  }
0x5a: {  	_ =	shalt  }
0x5b: {  	_ =	shalt  }
0x5c: {  	_ =	shalt  }
0x5d: {  	_ =	shalt  }
0x5e: {  	_ =	shalt  }
0x5f: {  	_ =	shalt  }
0x60: {  	_ =	shalt  }
0x61: {  	_ =	shalt  }
0x62: {  	_ =	shalt  }
0x63: {  	_ =	shalt  }
0x64: {  	_ =	shalt  }
0x65: {  	_ =	shalt  }
0x66: {  	_ =	shalt  }
0x67: {  	_ =	shalt  }
0x68: {  	_ =	shalt  }
0x69: {  	_ =	shalt  }
0x6a: {  	_ =	shalt  }
0x6b: {  	_ =	shalt  }
0x6c: {  	_ =	shalt  }
0x6d: {  	_ =	shalt  }
0x6e: {  	_ =	shalt  }
0x6f: {  	_ =	shalt  }
0x70: {  	_ =	shalt  }
0x71: {  	_ =	shalt  }
0x72: {  	_ =	shalt  }
0x73: {  	_ =	shalt  }
0x74: {  	_ =	shalt  }
0x75: {  	_ =	shalt  }
0x76: {  	_ =	shalt  }
0x77: {  	_ =	shalt  }
0x78: {  	_ =	shalt  }
0x79: {  	_ =	shalt  }
0x7a: {  	_ =	shalt  }
0x7b: {  	_ =	shalt  }
0x7c: {  	_ =	shalt  }
0x7d: {  	_ =	shalt  }
0x7e: {  	_ =	shalt  }
0x7f: {  	_ =	shalt  }
0x80: {  	_ =	shalt  }
0x81: {  	_ =	shalt  }
0x82: {  	_ =	shalt  }
0x83: {  	_ =	shalt  }
0x84: {  	_ =	shalt  }
0x85: {  	_ =	shalt  }
0x86: {  	_ =	shalt  }
0x87: {  	_ =	shalt  }
.Lfunc_end0:
.L_simem_size_0:
called_computation_lowered:
.L_overlay_start_0:
0x88: {  	s2 =	sld [smem:$0x3FD9]  }
0x89: {  	s3 =	sld [smem:$0x3FFE];
	_ =	sdelay $0x1  }
0x8a: {  	s1 =	srdreg.scid  }
0x8b: {  	s0 =	sand.u32 $0x1, s1  }
0x8c: {  	s16 =	sshll.u32 s0, $0xA;
	s2 =	sadd.s32 s3, s2  }
0x8d: {  	s2 =	sadd.s32 s2, s16  }
0x8e: {  	[smem:$0x3FC5] =	sst s2  }
0x8f: {  	_ = 	snop  }
0x90: {  	(tm) =	ssettm $0x1  }
0x91: {  	s17 =	sld [smem:$0x3FFB];
	_ =	sdelay $0x3  }
0x92: {  	_ =	strace s17  }
0x93: {  	s2 =	sld [smem:$0x3FFC];
	_ =	sdelay $0x3  }
0x94: {  	_ =	strace s2  }
0x95: {  	s2 =	sld [smem:$0x3FFD];
	_ =	sdelay $0x3  }
0x96: {  	_ =	strace s2  }
0x97: {  	_ =	strace $0x8FFFFFFF  }
0x98: {  	s18 =	sld [smem:$0x3FDB];
	_ =	sdelay $0x1  }
0x99: {  	s19 =	simm.s32 $_scs_section_size  }
0x9a: {  	s4 =	simm.s32 $_size__tile_overlayer_lowered;
	s5 =	simm.s32 $_tile_overlayer_lowered  }
0x9b: {  	s22 =	simm.s32 $0x1BFF;
	s21 =	sshll.u32 s5, $0x1;
	s2 =	sadd.s32 s19, s18  }
0x9c: {  	s6 =	simm.s32 $0x0;
	s20 =	sshll.u32 s4, $0x1;
	s4 =	sadd.s32 s21, s2  }
0x9d: {  	[timem:s6], [sflag:s22] =	dma.local [hbm:s4], s20  }
0x9e: {  	_ =	swait.ge [sflag:s22], s20  }
0x9f: {  	s3 =	ssub.s32 $0x0, s20;
	[sflag:s22] =	ssyncset.done $0x0  }
0xa0: {  	[sflag:s22] =	ssyncadd.s32 s3;
	_ =	sdelay $0x1  }
0xa1: {  	s23 =	simm.s32 $0x1B8B  }
0xa2: {  	_ =	swait.ge [sflag:s23], $0x1  }
0xa3: {  	[sflag:s23] =	ssyncset.done $0x0  }
0xa4: {  	s25 =	simm.s32 $0x1B8E;
	s24 =	sld [smem:$0x3FFE];
	[sflag:s23] =	ssyncadd.s32 $0xFFFFFFFF  }
0xa5: {  	s26 =	simm.s32 $execute0_lowered;
	[smem:$0x3FD2] =	sst s25  }
0xa6: {  	s4 =	sshll.u32 s26, $0x1;
	_ =	strace $0x80000046;
	[dreg:$0x1] =	wrdreg $0xFFFFFFFF  }
0xa7: {  	s28 =	simm.s32 $_size_execute0_lowered;
	s2 =	sadd.s32 s2, s4;
	[dreg:$0x0] =	wrdreg $0x0  }
0xa8: {  	s4 =	sshll.u32 s28, $0x1;
	[dreg:$0x2] =	wrdreg s2  }
0xa9: {  	[dreg:$0x3] =	wrdreg s4  }
0xaa: {  	[dreg:$0x4] =	wrdreg $0xC0  }
0xab: {  	_ =	task [dreg:s6], $0x5FFFF  }
0xac: {  	[dreg:$0x1] =	wrdreg $0xFFFFFFFF  }
0xad: {  	[dreg:$0x0] =	wrdreg $0x60  }
0xae: {  	[dreg:$0x2] =	wrdreg s24  }
0xaf: {  	[dreg:$0x3] =	wrdreg $0x9  }
0xb0: {  	_ =	task.clear_ibuf [dreg:s6], $0x4FFFF;
	_ =	strace $0x90000046  }
0xb1: {  	s29 =	simm.s32 $0x9;
	_ =	strace $0x80000048  }
0xb2: {  	_ =	swait.ge [sflag:s29], $0x1  }
0xb3: {  	[sflag:s29] =	ssyncadd.s32 $0xFFFFFFFF  }
0xb4: {  	_ =	strace $0x90000048  }
0xb5: {  	_ =	sfence  }
0xb6: {  	s30 =	sld [smem:$0x0];
	_ =	sdelay $0x2  }
0xb7: {  	s31 =	sshll.u32 s1, $0xD;
	s1 =	sshrl.u32 s1, $0x2  }
0xb8: {  	s3 =	sand.u32 $0x4000, s31;
	s1 =	sadd.s32 s1, s30  }
0xb9: {  	s0 =	sor.u32 s3, s0;
	s1 =	sshll.u32 s1, $0x11  }
0xba: {  	s0 =	sor.u32 s1, s0  }
0xbb: {  	s0 =	sadd.s32 $0x8F2B, s0  }
0xbc: {  	[sflag:s0] =	ssyncadd.remote.s32 $0x1  }
0xbd: {  	_ =	sfence.sel $0xFFFF  }
0xbe: {  	[dreg:$0x0] =	wrdreg $0xFFFFFFFF;
	(pc) =	sbr.abs _section_cstart, $3  }
0xbf: {  	[dreg:$0x1] =	wrdreg $0xFFFFFFFF  }
0xc0: {  	_ =	task.clear_ibuf [dreg:s6], $0x2FFFF;
	_ =	strace $0x9FFFFFFF  }
0xc1: {  	(tm) =	ssettm $0x7FFFFFFF  }
tec
execute0_lowered:
.L_overlay_start_1:
0x0: {  	(tag) =	ssettag $0x1  }
0x1: {  	s1 =	srdreg.scid;
	s0 =	stileid.u32  }
0x2: {  	s1 =	sand.u32 $0x1, s1;
	s2 =	sshll.u32 s0, $0x1  }
0x3: {  	s3 =	rddreg [dreg:$0x0];
	s2 =	sor.u32 s1, s2  }
0x4: {  	s29 =	simm.s32 $0x1;
	s1 =	ssub.s32 $0x2, s1;
	s4 =	smul.u32 $0x60000, s2  }
0x5: {  	s30 =	simm.s32 $0x0;
	s2 =	simm.s32 $0x0;
	s5 =	sshrl.u32 s1, $0x1  }
0x6: {  	[smem:$0x7FF] =	sst s2;
	s1 =	ssub.s32 s1, s5;
	s4 =	sshrl.u32 s4, $0x3  }
0x7: {  	_ =	strace $0x80000047;
	s28 =	smax.u32 s1, $0x1;
	s26 =	sadd.s32 s4, s3  }
0x8: {  	s3 =	sadd.s32 $0x800, s26;
	s4 =	sadd.s32 $0x1000, s26;
	s5 =	sadd.s32 $0x1800, s26  }
0x9: {  	s6 =	sadd.s32 $0x2000, s26;
	s7 =	sadd.s32 $0x2800, s26;
	s8 =	sadd.s32 $0x3000, s26  }
0xa: {  	s9 =	sadd.s32 $0x3800, s26;
	s10 =	sadd.s32 $0x4000, s26;
	s11 =	sadd.s32 $0x4800, s26  }
0xb: {  	s12 =	sadd.s32 $0x5000, s26;
	s13 =	sadd.s32 $0x5800, s26;
	s14 =	sadd.s32 $0x6000, s26  }
0xc: {  	s15 =	sadd.s32 $0x6800, s26;
	s16 =	sadd.s32 $0x7000, s26;
	s17 =	sadd.s32 $0x7800, s26  }
0xd: {  	s18 =	sadd.s32 $0x8000, s26;
	s19 =	sadd.s32 $0x8800, s26;
	s20 =	sadd.s32 $0x9000, s26  }
0xe: {  	s21 =	sadd.s32 $0x9800, s26;
	s22 =	sadd.s32 $0xA000, s26;
	s23 =	sadd.s32 $0xA800, s26  }
0xf: {  	v0 =	vimm.f32 $0.0e+00;
	s24 =	sadd.s32 $0xB000, s26;
	s25 =	sadd.s32 $0xB800, s26;
	s26 =	sadd.s32 $0xC000, s26  }
.LBB2_1:
0x10: {  	s31 =	simm.s32 $0x40;
	s1 =	simm.s32 $0x0  }
.LBB2_2:
0x11: {  	p0 =	sne.s32 s31, $0xFFC0;
	[tilespmem:s1+$0x0] =	vst v0;
	s1 =	smov.u32 s31;
	s31 =	sadd.s32 $0x40, s31  }
.Ltmp0:
0x12: {  	(pc) =	sbr.rel @p0 .LBB2_2-.Ltmp0, $2  }
0x13: {  	_ =	sdelay $0x2  }
0x14: {  	s1 =	sshra.s32 s1, $0x2  }
0x15: {  	[tilespmem:s1+$0x0] =	vst v0  }
0x16: {  	[hbm4b:s3+s2] =	stream.linear.scatter [tilespmem:s2], [sflag:$0x1], $0x4000, $0x38;
	[tilespmem:$0x4000] =	vst v63  }
0x17: {  	_ = 	snop  }
0x18: {  	[hbm4b:s4+s2] =	stream.linear.scatter [tilespmem:s2], [sflag:$0x1], $0x4000, $0x38;
	[tilespmem:$0x4000] =	vst v63  }
0x19: {  	_ = 	snop  }
0x1a: {  	[hbm4b:s5+s2] =	stream.linear.scatter [tilespmem:s2], [sflag:$0x1], $0x4000, $0x38;
	[tilespmem:$0x4000] =	vst v63  }
0x1b: {  	_ = 	snop  }
0x1c: {  	[hbm4b:s6+s2] =	stream.linear.scatter [tilespmem:s2], [sflag:$0x1], $0x4000, $0x38;
	[tilespmem:$0x4000] =	vst v63  }
0x1d: {  	_ = 	snop  }
0x1e: {  	[hbm4b:s7+s2] =	stream.linear.scatter [tilespmem:s2], [sflag:$0x1], $0x4000, $0x38;
	[tilespmem:$0x4000] =	vst v63  }
0x1f: {  	_ = 	snop  }
0x20: {  	[hbm4b:s8+s2] =	stream.linear.scatter [tilespmem:s2], [sflag:$0x1], $0x4000, $0x38;
	[tilespmem:$0x4000] =	vst v63  }
0x21: {  	_ = 	snop  }
0x22: {  	[hbm4b:s9+s2] =	stream.linear.scatter [tilespmem:s2], [sflag:$0x1], $0x4000, $0x38;
	[tilespmem:$0x4000] =	vst v63  }
0x23: {  	_ = 	snop  }
0x24: {  	[hbm4b:s10+s2] =	stream.linear.scatter [tilespmem:s2], [sflag:$0x1], $0x4000, $0x38;
	[tilespmem:$0x4000] =	vst v63  }
0x25: {  	_ = 	snop  }
0x26: {  	[hbm4b:s11+s2] =	stream.linear.scatter [tilespmem:s2], [sflag:$0x1], $0x4000, $0x38;
	[tilespmem:$0x4000] =	vst v63  }
0x27: {  	_ = 	snop  }
0x28: {  	[hbm4b:s12+s2] =	stream.linear.scatter [tilespmem:s2], [sflag:$0x1], $0x4000, $0x38;
	[tilespmem:$0x4000] =	vst v63  }
0x29: {  	_ = 	snop  }
0x2a: {  	[hbm4b:s13+s2] =	stream.linear.scatter [tilespmem:s2], [sflag:$0x1], $0x4000, $0x38;
	[tilespmem:$0x4000] =	vst v63  }
0x2b: {  	_ = 	snop  }
0x2c: {  	[hbm4b:s14+s2] =	stream.linear.scatter [tilespmem:s2], [sflag:$0x1], $0x4000, $0x38;
	[tilespmem:$0x4000] =	vst v63  }
0x2d: {  	_ = 	snop  }
0x2e: {  	[hbm4b:s15+s2] =	stream.linear.scatter [tilespmem:s2], [sflag:$0x1], $0x4000, $0x38;
	[tilespmem:$0x4000] =	vst v63  }
0x2f: {  	_ = 	snop  }
0x30: {  	[hbm4b:s16+s2] =	stream.linear.scatter [tilespmem:s2], [sflag:$0x1], $0x4000, $0x38;
	[tilespmem:$0x4000] =	vst v63  }
0x31: {  	_ = 	snop  }
0x32: {  	[hbm4b:s17+s2] =	stream.linear.scatter [tilespmem:s2], [sflag:$0x1], $0x4000, $0x38;
	[tilespmem:$0x4000] =	vst v63  }
0x33: {  	_ = 	snop  }
0x34: {  	[hbm4b:s18+s2] =	stream.linear.scatter [tilespmem:s2], [sflag:$0x1], $0x4000, $0x38;
	[tilespmem:$0x4000] =	vst v63  }
0x35: {  	_ = 	snop  }
0x36: {  	[hbm4b:s19+s2] =	stream.linear.scatter [tilespmem:s2], [sflag:$0x1], $0x4000, $0x38;
	[tilespmem:$0x4000] =	vst v63  }
0x37: {  	_ = 	snop  }
0x38: {  	[hbm4b:s20+s2] =	stream.linear.scatter [tilespmem:s2], [sflag:$0x1], $0x4000, $0x38;
	[tilespmem:$0x4000] =	vst v63  }
0x39: {  	_ = 	snop  }
0x3a: {  	[hbm4b:s21+s2] =	stream.linear.scatter [tilespmem:s2], [sflag:$0x1], $0x4000, $0x38;
	[tilespmem:$0x4000] =	vst v63  }
0x3b: {  	_ = 	snop  }
0x3c: {  	[hbm4b:s22+s2] =	stream.linear.scatter [tilespmem:s2], [sflag:$0x1], $0x4000, $0x38;
	[tilespmem:$0x4000] =	vst v63  }
0x3d: {  	_ = 	snop  }
0x3e: {  	[hbm4b:s23+s2] =	stream.linear.scatter [tilespmem:s2], [sflag:$0x1], $0x4000, $0x38;
	[tilespmem:$0x4000] =	vst v63  }
0x3f: {  	_ = 	snop  }
0x40: {  	[hbm4b:s24+s2] =	stream.linear.scatter [tilespmem:s2], [sflag:$0x1], $0x4000, $0x38;
	[tilespmem:$0x4000] =	vst v63  }
0x41: {  	_ = 	snop  }
0x42: {  	[hbm4b:s25+s2] =	stream.linear.scatter [tilespmem:s2], [sflag:$0x1], $0x4000, $0x38;
	[tilespmem:$0x4000] =	vst v63  }
0x43: {  	_ = 	snop  }
0x44: {  	[hbm4b:s26+s2] =	stream.linear.scatter [tilespmem:s2], [sflag:$0x1], $0x4000, $0x38;
	[tilespmem:$0x4000] =	vst v63  }
0x45: {  	_ =	swait.ge [sflag:s29], $0x4000  }
0x46: {  	[sflag:s29] =	ssyncset.done $0x0  }
0x47: {  	[sflag:s29] =	ssyncadd.s32 $0xFFFFC000  }
0x48: {  	_ =	swait.ge [sflag:s29], $0x4000  }
0x49: {  	[sflag:s29] =	ssyncset.done $0x0  }
0x4a: {  	[sflag:s29] =	ssyncadd.s32 $0xFFFFC000  }
0x4b: {  	_ =	swait.ge [sflag:s29], $0x4000  }
0x4c: {  	[sflag:s29] =	ssyncset.done $0x0  }
0x4d: {  	[sflag:s29] =	ssyncadd.s32 $0xFFFFC000  }
0x4e: {  	_ =	swait.ge [sflag:s29], $0x4000  }
0x4f: {  	[sflag:s29] =	ssyncset.done $0x0  }
0x50: {  	[sflag:s29] =	ssyncadd.s32 $0xFFFFC000  }
0x51: {  	_ =	swait.ge [sflag:s29], $0x4000  }
0x52: {  	[sflag:s29] =	ssyncset.done $0x0  }
0x53: {  	[sflag:s29] =	ssyncadd.s32 $0xFFFFC000  }
0x54: {  	_ =	swait.ge [sflag:s29], $0x4000  }
0x55: {  	[sflag:s29] =	ssyncset.done $0x0  }
0x56: {  	[sflag:s29] =	ssyncadd.s32 $0xFFFFC000  }
0x57: {  	_ =	swait.ge [sflag:s29], $0x4000  }
0x58: {  	[sflag:s29] =	ssyncset.done $0x0  }
0x59: {  	[sflag:s29] =	ssyncadd.s32 $0xFFFFC000  }
0x5a: {  	_ =	swait.ge [sflag:s29], $0x4000  }
0x5b: {  	[sflag:s29] =	ssyncset.done $0x0  }
0x5c: {  	[sflag:s29] =	ssyncadd.s32 $0xFFFFC000  }
0x5d: {  	_ =	swait.ge [sflag:s29], $0x4000  }
0x5e: {  	[sflag:s29] =	ssyncset.done $0x0  }
0x5f: {  	[sflag:s29] =	ssyncadd.s32 $0xFFFFC000  }
0x60: {  	_ =	swait.ge [sflag:s29], $0x4000  }
0x61: {  	[sflag:s29] =	ssyncset.done $0x0  }
0x62: {  	[sflag:s29] =	ssyncadd.s32 $0xFFFFC000  }
0x63: {  	_ =	swait.ge [sflag:s29], $0x4000  }
0x64: {  	[sflag:s29] =	ssyncset.done $0x0  }
0x65: {  	[sflag:s29] =	ssyncadd.s32 $0xFFFFC000  }
0x66: {  	_ =	swait.ge [sflag:s29], $0x4000  }
0x67: {  	[sflag:s29] =	ssyncset.done $0x0  }
0x68: {  	[sflag:s29] =	ssyncadd.s32 $0xFFFFC000  }
0x69: {  	_ =	swait.ge [sflag:s29], $0x4000  }
0x6a: {  	[sflag:s29] =	ssyncset.done $0x0  }
0x6b: {  	[sflag:s29] =	ssyncadd.s32 $0xFFFFC000  }
0x6c: {  	_ =	swait.ge [sflag:s29], $0x4000  }
0x6d: {  	[sflag:s29] =	ssyncset.done $0x0  }
0x6e: {  	[sflag:s29] =	ssyncadd.s32 $0xFFFFC000  }
0x6f: {  	_ =	swait.ge [sflag:s29], $0x4000  }
0x70: {  	[sflag:s29] =	ssyncset.done $0x0  }
0x71: {  	[sflag:s29] =	ssyncadd.s32 $0xFFFFC000  }
0x72: {  	_ =	swait.ge [sflag:s29], $0x4000  }
0x73: {  	[sflag:s29] =	ssyncset.done $0x0  }
0x74: {  	[sflag:s29] =	ssyncadd.s32 $0xFFFFC000  }
0x75: {  	_ =	swait.ge [sflag:s29], $0x4000  }
0x76: {  	[sflag:s29] =	ssyncset.done $0x0  }
0x77: {  	[sflag:s29] =	ssyncadd.s32 $0xFFFFC000  }
0x78: {  	_ =	swait.ge [sflag:s29], $0x4000  }
0x79: {  	[sflag:s29] =	ssyncset.done $0x0  }
0x7a: {  	[sflag:s29] =	ssyncadd.s32 $0xFFFFC000  }
0x7b: {  	_ =	swait.ge [sflag:s29], $0x4000  }
0x7c: {  	[sflag:s29] =	ssyncset.done $0x0  }
0x7d: {  	[sflag:s29] =	ssyncadd.s32 $0xFFFFC000  }
0x7e: {  	_ =	swait.ge [sflag:s29], $0x4000  }
0x7f: {  	[sflag:s29] =	ssyncset.done $0x0  }
0x80: {  	[sflag:s29] =	ssyncadd.s32 $0xFFFFC000  }
0x81: {  	_ =	swait.ge [sflag:s29], $0x4000  }
0x82: {  	[sflag:s29] =	ssyncset.done $0x0  }
0x83: {  	[sflag:s29] =	ssyncadd.s32 $0xFFFFC000  }
0x84: {  	_ =	swait.ge [sflag:s29], $0x4000  }
0x85: {  	[sflag:s29] =	ssyncset.done $0x0  }
0x86: {  	s30 =	sadd.s32 $0x1, s30;
	[sflag:s29] =	ssyncadd.s32 $0xFFFFC000  }
0x87: {  	p0 =	sne.s32 s30, s28;
	_ =	swait.ge [sflag:s29], $0x4000  }
.Ltmp1:
0x88: {  	[sflag:s29] =	ssyncset.done $0x0;
	(pc) =	sbr.rel @p0 .LBB2_1-.Ltmp1, $4  }
0x89: {  	[sflag:s29] =	ssyncadd.s32 $0xFFFFC000  }
0x8a: {  	_ =	swait.ge [sflag:s29], $0x4000  }
0x8b: {  	[sflag:s29] =	ssyncset.done $0x0  }
0x8c: {  	[sflag:s29] =	ssyncadd.s32 $0xFFFFC000  }
0x8d: {  	_ =	sfence.sel $0x180000  }
0x8e: {  	[bflag:$0x0] =	sbarrier.arrive $0xFFFF  }
0x8f: {  	_ =	strace $0x90000047  }
0x90: {  	[bflag:$0x2] =	sbarrier.arrive $0xFFFF  }
0x91: {  	p0 =	sne.s32 s0, $0x0;
	s0 =	rddreg [dreg:$0x1]  }
0x92: {  	s0 =	sadd.s32 @!p0 $0x100000, s0  }
0x93: {  	[sflag:s0] =	ssyncadd.tile.s32 @!p0 $0x1;
	_ =	shalt  }
.Lfunc_end2:
_tile_overlayer_lowered:
.L_overlay_start_2:
0x94: {  	(tag) =	ssettag $0x2  }
0x95: {  	s0 =	rddreg [dreg:$0x0];
	s2 =	stileid.u32  }
0x96: {  	s1 =	rddreg [dreg:$0x1];
	p0 =	sne.s32 s2, $0x0  }
0x97: {  	s3 =	rddreg [dreg:$0x2];
	[bflag:$0x3] =	sbarrier.arrive $0xFFFF;
	s2 =	simm.s32 @!p0 $0x1C02  }
0x98: {  	[timem:s3], [sflag:s2] =	dma.local @!p0 [hbm:s0], s1  }
0x99: {  	s0 =	simm.s32 @!p0 $0x2  }
0x9a: {  	_ =	swait.ge @!p0 [sflag:s0], s1  }
0x9b: {  	s1 =	ssub.s32 @!p0 $0x0, s1;
	[sflag:s0] =	ssyncset.done @!p0 $0x0  }
0x9c: {  	[sflag:s0] =	ssyncadd.s32 @!p0 s1  }
0x9d: {  	[bflag:$0x3] =	sbarrier.arrive $0xFFFF  }
0x9e: {  	_ =	shalt  }

</sc_bundles>
